<compile_context>
chip_gen: v7x
topology: tpu7x:2x2x1
jax: 0.10.2.dev20260603
libtpu: 0.0.44.dev20260713+nightly
codegen_flags: <defaults>
</compile_context>

<pallas_src>
import functools

import jax
import jax.numpy as jnp
from jax import lax
from jax.experimental import pallas as pl
from jax.experimental.pallas import tpu as pltpu
from jax.experimental.pallas import tpu_sc as plsc

_LANES = 16
_NW = 32


def _make_proj(n, d, blk):
    def body(x_ref, w_ref, o_ref):
        w2 = jnp.concatenate([w_ref[:, :d], w_ref[:, d:]], axis=0)
        o_ref[0] = lax.dot_general(
            w2, x_ref[...],
            dimension_numbers=(((1,), (1,)), ((), ())),
            preferred_element_type=jnp.float32,
            precision=lax.Precision.DEFAULT)

    return pl.pallas_call(
        body,
        grid=(n // blk,),
        in_specs=[
            pl.BlockSpec((blk, d), lambda i: (i, 0)),
            pl.BlockSpec((1, 2 * d), lambda i: (0, 0)),
        ],
        out_specs=pl.BlockSpec((1, 2, blk), lambda i: (i, 0, 0)),
        out_shape=jax.ShapeDtypeStruct((n // blk, 2, blk), jnp.float32),
        compiler_params=pltpu.CompilerParams(
            dimension_semantics=("parallel",)),
    )


def _make_sc_gather(n_nodes, n_edges, n_chunks, chunk):
    nblk = n_edges // 128
    main_blk = nblk // _NW
    per_w = main_blk * 128
    rem = nblk - main_blk * _NW
    rem_base = _NW * per_w
    mesh = plsc.VectorSubcoreMesh(core_axis_name="c", subcore_axis_name="s")

    @functools.partial(
        pl.kernel,
        mesh=mesh,
        out_type=jax.ShapeDtypeStruct((n_edges,), jnp.float32),
        compiler_params=pltpu.CompilerParams(needs_layout_passes=False),
        scratch_types=[
            pltpu.VMEM((per_w,), jnp.int32),
            pltpu.VMEM((per_w,), jnp.int32),
            pltpu.VMEM((2, 128), jnp.int32),
            pltpu.VMEM((2 * n_nodes,), jnp.float32),
            pltpu.VMEM((per_w,), jnp.float32),
            pltpu.VMEM((128,), jnp.float32),
            pltpu.SemaphoreType.DMA,
        ],
    )
    def sc_gather(idx_hbm, st_hbm, out_hbm,
                  u_v, v_v, uv2_v, st_v, o_v, o2_v, sem):
        wid = lax.axis_index("s") * 2 + lax.axis_index("c")
        base = wid * per_w
        cps = [
            pltpu.async_copy(idx_hbm.at[0, pl.ds(base, per_w)], u_v, sem),
            pltpu.async_copy(idx_hbm.at[1, pl.ds(base, per_w)], v_v, sem),
            pltpu.async_copy(st_hbm, st_v, sem),
        ]
        for cp in cps:
            cp.wait()

        @plsc.parallel_loop(0, per_w, _LANES, unroll=8)
        def _(off):
            u = u_v[pl.ds(off, _LANES)]
            v = v_v[pl.ds(off, _LANES)]
            su = jnp.where(u < chunk, u, u + chunk)
            tv = jnp.where(v < chunk, v + chunk, v + 2 * chunk)
            sg = plsc.load_gather(st_v, [su])
            tg = plsc.load_gather(st_v, [tv])
            o_v[pl.ds(off, _LANES)] = sg + tg

        pltpu.sync_copy(o_v, out_hbm.at[pl.ds(base, per_w)])

        @pl.when(wid < rem)
        def _():
            base2 = rem_base + wid * 128
            pltpu.sync_copy(idx_hbm.at[:, pl.ds(base2, 128)], uv2_v)

            @plsc.parallel_loop(0, 128, _LANES, unroll=8)
            def _(off):
                u = uv2_v[0, pl.ds(off, _LANES)]
                v = uv2_v[1, pl.ds(off, _LANES)]
                su = jnp.where(u < chunk, u, u + chunk)
                tv = jnp.where(v < chunk, v + chunk, v + 2 * chunk)
                sg = plsc.load_gather(st_v, [su])
                tg = plsc.load_gather(st_v, [tv])
                o2_v[pl.ds(off, _LANES)] = sg + tg

            pltpu.sync_copy(o2_v, out_hbm.at[pl.ds(base2, 128)])

    return sc_gather


def _norm_body(l_ref, o_ref):
    l = l_ref[...]
    s = jnp.sum(l)
    ss = jnp.sum(l * l)
    n = jnp.float32(l.size)
    mean = s / n
    var = (ss - s * s / n) / (n - 1.0)
    inv = lax.rsqrt(var)
    o_ref[...] = jax.nn.sigmoid((l - mean) * inv)


def kernel(x_list, edge_index, W, b):
    del b
    n_nodes, d = x_list.shape
    e = edge_index.shape[1]

    blk = n_nodes // 2
    st = _make_proj(n_nodes, d, blk)(x_list, W)

    idx = edge_index.astype(jnp.int32)
    logits = _make_sc_gather(n_nodes, e, n_nodes // blk, blk)(
        idx, st.reshape(-1))

    n_cols = 128
    n_rows = e // n_cols
    out = pl.pallas_call(
        _norm_body,
        out_shape=jax.ShapeDtypeStruct((n_rows, n_cols), jnp.float32),
    )(logits.reshape(n_rows, n_cols))
    return out.reshape(-1)

# --- scband reference (transcript-rebuilt; emitter-appended) ---
"""Pipeline reference for scband-linear-attention-85117661872491 (READ-ONLY COPY).

The authoritative reference and input builder live on the scoring server;
editing this copy changes nothing except your own understanding.
"""

import jax, jax.numpy as jnp
import numpy as np

IN_DIM = 256
N_NODES = 10000
N_EDGES = 160000

def setup_inputs(seed: int = 0) -> dict:
    key = jax.random.key(seed)
    k1, k2, k3, k4 = jax.random.split(key, 4)
    x_list = jax.random.normal(k1, (N_NODES, IN_DIM), dtype=jnp.float32)
    edge_index = jax.random.randint(k2, (2, N_EDGES), 0, N_NODES, dtype=jnp.int64)
    # nn.Linear(2*in_dim, 1): weight [1, 2*in_dim], bias [1]
    bound = 1.0 / np.sqrt(2 * IN_DIM)
    W = jax.random.uniform(k3, (1, 2 * IN_DIM), dtype=jnp.float32, minval=-bound, maxval=bound)
    b = jax.random.uniform(k4, (1,), dtype=jnp.float32, minval=-bound, maxval=bound)
    return {"x_list": x_list, "edge_index": edge_index, "W": W, "b": b}

def reference(x_list, edge_index, W, b):
    # Vectorized equivalent of the per-edge python loop:
    u_feature = jnp.take(x_list, edge_index[0], axis=0)  # [E, d]
    v_feature = jnp.take(x_list, edge_index[1], axis=0)  # [E, d]
    cat_feature = jnp.concatenate([u_feature, v_feature], axis=-1)  # [E, 2d]
    weight_logits = cat_feature @ W.T + b  # [E, 1]
    # torch.cat of per-edge [1]-shaped tensors along dim=0 -> [E]
    cat_edge_weight = weight_logits.reshape(-1).astype(jnp.float32)
    # torch.std is unbiased (ddof=1) by default
    normalized = (cat_edge_weight - jnp.mean(cat_edge_weight)) / jnp.std(cat_edge_weight, ddof=1)
    edge_weight_out = jax.nn.sigmoid(normalized)
    return edge_weight_out

if __name__ == "__main__":
    import jax
    _d = setup_inputs()
    print(jax.jit(kernel)(*tuple(_d.values())))

</pallas_src>

<mosaic_0001>
#map = affine_map<(d0, d1) -> (0, 0)>
#map1 = affine_map<(d0, d1) -> (0)>
module attributes {stable_mosaic.version = 14 : i64} {
  func.func @sc_gather(%arg0: i32, %arg1: i32, %arg2: memref<2x160000xi32, #tpu.memory_space<hbm>>, %arg3: memref<20000xf32, #tpu.memory_space<hbm>>, %arg4: memref<160000xf32, #tpu.memory_space<hbm>>, %arg5: memref<4992xi32, #tpu.memory_space<vmem>>, %arg6: memref<4992xi32, #tpu.memory_space<vmem>>, %arg7: memref<2x128xi32, #tpu.memory_space<vmem>>, %arg8: memref<20000xf32, #tpu.memory_space<vmem>>, %arg9: memref<4992xf32, #tpu.memory_space<vmem>>, %arg10: memref<128xf32, #tpu.memory_space<vmem>>, %arg11: memref<!tpu.dma_semaphore, #tpu.memory_space<semaphore_mem>>) attributes {dimension_semantics = [#tpu.dimension_semantics<core_parallel>, #tpu.dimension_semantics<subcore_parallel>], iteration_bounds = array<i64: 2, 16>, scalar_prefetch = 0 : i64, scratch_operands = 7 : i64, tpu.core_type = #tpu.core_type<sc_vector_subcore>, window_params = [{transform_indices = #map}, {transform_indices = #map1}, {transform_indices = #map1}]} {
    %mul3A = arith.constant 2 : i32
    %mul3A_0 = arith.muli %arg1, %mul3A : i32
    %add3A = arith.addi %mul3A_0, %arg0 : i32
    %mul3A_1 = arith.constant 4992 : i32
    %mul3A_2 = arith.muli %add3A, %mul3A_1 : i32
    %dma_start3A = arith.constant 0 : i32
    %dma_start3A_3 = tpu.memref_slice %arg2[%dma_start3A, %mul3A_2] : memref<2x160000xi32, #tpu.memory_space<hbm>> -> memref<1x4992xi32, #tpu.memory_space<hbm>>
    %dma_start3A_4 = tpu.memref_squeeze %dma_start3A_3 : memref<1x4992xi32, #tpu.memory_space<hbm>> -> memref<4992xi32, #tpu.memory_space<hbm>>
    %dma_start3A_5 = tpu.memref_slice %arg2[%dma_start3A, %mul3A_2] : memref<2x160000xi32, #tpu.memory_space<hbm>> -> memref<1x4992xi32, #tpu.memory_space<hbm>>
    %dma_start3A_6 = tpu.memref_squeeze %dma_start3A_5 : memref<1x4992xi32, #tpu.memory_space<hbm>> -> memref<4992xi32, #tpu.memory_space<hbm>>
    tpu.enqueue_dma source(%dma_start3A_6 : memref<4992xi32, #tpu.memory_space<hbm>>) target(%arg5 : memref<4992xi32, #tpu.memory_space<vmem>>) target_semaphore(%arg11 : memref<!tpu.dma_semaphore, #tpu.memory_space<semaphore_mem>>)
    %dma_start3A_7 = arith.constant 1 : i32
    %dma_start3A_8 = tpu.memref_slice %arg2[%dma_start3A_7, %mul3A_2] : memref<2x160000xi32, #tpu.memory_space<hbm>> -> memref<1x4992xi32, #tpu.memory_space<hbm>>
    %dma_start3A_9 = tpu.memref_squeeze %dma_start3A_8 : memref<1x4992xi32, #tpu.memory_space<hbm>> -> memref<4992xi32, #tpu.memory_space<hbm>>
    %dma_start3A_10 = tpu.memref_slice %arg2[%dma_start3A_7, %mul3A_2] : memref<2x160000xi32, #tpu.memory_space<hbm>> -> memref<1x4992xi32, #tpu.memory_space<hbm>>
    %dma_start3A_11 = tpu.memref_squeeze %dma_start3A_10 : memref<1x4992xi32, #tpu.memory_space<hbm>> -> memref<4992xi32, #tpu.memory_space<hbm>>
    tpu.enqueue_dma source(%dma_start3A_11 : memref<4992xi32, #tpu.memory_space<hbm>>) target(%arg6 : memref<4992xi32, #tpu.memory_space<vmem>>) target_semaphore(%arg11 : memref<!tpu.dma_semaphore, #tpu.memory_space<semaphore_mem>>)
    tpu.enqueue_dma source(%arg3 : memref<20000xf32, #tpu.memory_space<hbm>>) target(%arg8 : memref<20000xf32, #tpu.memory_space<vmem>>) target_semaphore(%arg11 : memref<!tpu.dma_semaphore, #tpu.memory_space<semaphore_mem>>)
    %dma_wait3A = arith.constant 0 : i32
    %dma_wait3A_12 = tpu.memref_slice %arg2[%dma_wait3A, %mul3A_2] : memref<2x160000xi32, #tpu.memory_space<hbm>> -> memref<1x4992xi32, #tpu.memory_space<hbm>>
    %dma_wait3A_13 = tpu.memref_squeeze %dma_wait3A_12 : memref<1x4992xi32, #tpu.memory_space<hbm>> -> memref<4992xi32, #tpu.memory_space<hbm>>
    %dma_wait3A_14 = tpu.memref_slice %arg2[%dma_wait3A, %mul3A_2] : memref<2x160000xi32, #tpu.memory_space<hbm>> -> memref<1x4992xi32, #tpu.memory_space<hbm>>
    %dma_wait3A_15 = tpu.memref_squeeze %dma_wait3A_14 : memref<1x4992xi32, #tpu.memory_space<hbm>> -> memref<4992xi32, #tpu.memory_space<hbm>>
    tpu.wait_dma2 semaphore(%arg11 : memref<!tpu.dma_semaphore, #tpu.memory_space<semaphore_mem>>) src(%dma_wait3A_15 : memref<4992xi32, #tpu.memory_space<hbm>>) dst(%arg5 : memref<4992xi32, #tpu.memory_space<vmem>>)
    %dma_wait3A_16 = arith.constant 1 : i32
    %dma_wait3A_17 = tpu.memref_slice %arg2[%dma_wait3A_16, %mul3A_2] : memref<2x160000xi32, #tpu.memory_space<hbm>> -> memref<1x4992xi32, #tpu.memory_space<hbm>>
    %dma_wait3A_18 = tpu.memref_squeeze %dma_wait3A_17 : memref<1x4992xi32, #tpu.memory_space<hbm>> -> memref<4992xi32, #tpu.memory_space<hbm>>
    %dma_wait3A_19 = tpu.memref_slice %arg2[%dma_wait3A_16, %mul3A_2] : memref<2x160000xi32, #tpu.memory_space<hbm>> -> memref<1x4992xi32, #tpu.memory_space<hbm>>
    %dma_wait3A_20 = tpu.memref_squeeze %dma_wait3A_19 : memref<1x4992xi32, #tpu.memory_space<hbm>> -> memref<4992xi32, #tpu.memory_space<hbm>>
    tpu.wait_dma2 semaphore(%arg11 : memref<!tpu.dma_semaphore, #tpu.memory_space<semaphore_mem>>) src(%dma_wait3A_20 : memref<4992xi32, #tpu.memory_space<hbm>>) dst(%arg6 : memref<4992xi32, #tpu.memory_space<vmem>>)
    tpu.wait_dma2 semaphore(%arg11 : memref<!tpu.dma_semaphore, #tpu.memory_space<semaphore_mem>>) src(%arg3 : memref<20000xf32, #tpu.memory_space<hbm>>) dst(%arg8 : memref<20000xf32, #tpu.memory_space<vmem>>)
    %parallel_loop3A = arith.constant 0 : i32
    %parallel_loop3A_21 = arith.constant 4992 : i32
    %parallel_loop3A_22 = arith.constant 16 : i32
    scf.for %parallel_loop3A_25 = %parallel_loop3A to %parallel_loop3A_21 step %parallel_loop3A_22  : i32 {
      %parallel_loop3A_26 = arith.index_cast %parallel_loop3A_25 : i32 to index
      %parallel_loop3A_27 = tpu.vector_load %arg5[%parallel_loop3A_26] {strides = array<i32>} : memref<4992xi32, #tpu.memory_space<vmem>>, vector<16xi32>,
      %parallel_loop3A_28 = arith.index_cast %parallel_loop3A_25 : i32 to index
      %parallel_loop3A_29 = tpu.vector_load %arg6[%parallel_loop3A_28] {strides = array<i32>} : memref<4992xi32, #tpu.memory_space<vmem>>, vector<16xi32>,
      %parallel_loop3A_30 = arith.constant 5000 : i32
      %parallel_loop3A_31 = vector.broadcast %parallel_loop3A_30 : i32 to vector<16xi32>
      %parallel_loop3A_32 = arith.cmpi slt, %parallel_loop3A_27, %parallel_loop3A_31 : vector<16xi32>
      %parallel_loop3A_33 = arith.constant 5000 : i32
      %parallel_loop3A_34 = vector.broadcast %parallel_loop3A_33 : i32 to vector<16xi32>
      %parallel_loop3A_35 = arith.addi %parallel_loop3A_27, %parallel_loop3A_34 : vector<16xi32>
      %parallel_loop3A_36 = arith.select %parallel_loop3A_32, %parallel_loop3A_27, %parallel_loop3A_35 : vector<16xi1>, vector<16xi32>
      %parallel_loop3A_37 = arith.constant 5000 : i32
      %parallel_loop3A_38 = vector.broadcast %parallel_loop3A_37 : i32 to vector<16xi32>
      %parallel_loop3A_39 = arith.cmpi slt, %parallel_loop3A_29, %parallel_loop3A_38 : vector<16xi32>
      %parallel_loop3A_40 = arith.constant 5000 : i32
      %parallel_loop3A_41 = vector.broadcast %parallel_loop3A_40 : i32 to vector<16xi32>
      %parallel_loop3A_42 = arith.addi %parallel_loop3A_29, %parallel_loop3A_41 : vector<16xi32>
      %parallel_loop3A_43 = arith.constant 10000 : i32
      %parallel_loop3A_44 = vector.broadcast %parallel_loop3A_43 : i32 to vector<16xi32>
      %parallel_loop3A_45 = arith.addi %parallel_loop3A_29, %parallel_loop3A_44 : vector<16xi32>
      %parallel_loop3A_46 = arith.select %parallel_loop3A_39, %parallel_loop3A_42, %parallel_loop3A_45 : vector<16xi1>, vector<16xi32>
      %parallel_loop3A_47 = tpu.vector_load_idx %arg8[%parallel_loop3A_36] : memref<20000xf32, #tpu.memory_space<vmem>>[vector<16xi32>], vector<16xf32>,
      %parallel_loop3A_48 = tpu.vector_load_idx %arg8[%parallel_loop3A_46] : memref<20000xf32, #tpu.memory_space<vmem>>[vector<16xi32>], vector<16xf32>,
      %parallel_loop3A_49 = arith.addf %parallel_loop3A_47, %parallel_loop3A_48 : vector<16xf32>
      %parallel_loop3A_50 = arith.index_cast %parallel_loop3A_25 : i32 to index
      %parallel_loop3A_51 = tpu.vector_load %arg9[%parallel_loop3A_50] {strides = array<i32>} : memref<4992xf32, #tpu.memory_space<vmem>>, vector<16xf32>,
      tpu.vector_store %arg9[%parallel_loop3A_50], %parallel_loop3A_49 {strides = array<i32>} : memref<4992xf32, #tpu.memory_space<vmem>>, vector<16xf32>,
    } {sc.loop_unroll_factor = 8 : i64, sc.parallel_access}
    "tpu.region"() ({
      %run_scoped3A = tpu.sem_alloc : memref<!tpu.dma_semaphore, #tpu.memory_space<semaphore_mem>>
      %dma_start3A_25 = tpu.memref_slice %arg4[%mul3A_2] : memref<160000xf32, #tpu.memory_space<hbm>> -> memref<4992xf32, #tpu.memory_space<hbm>>
      %dma_start3A_26 = tpu.memref_slice %arg4[%mul3A_2] : memref<160000xf32, #tpu.memory_space<hbm>> -> memref<4992xf32, #tpu.memory_space<hbm>>
      tpu.enqueue_dma source(%arg9 : memref<4992xf32, #tpu.memory_space<vmem>>) target(%dma_start3A_26 : memref<4992xf32, #tpu.memory_space<hbm>>) target_semaphore(%run_scoped3A : memref<!tpu.dma_semaphore, #tpu.memory_space<semaphore_mem>>)
      %dma_wait3A_27 = tpu.memref_slice %arg4[%mul3A_2] : memref<160000xf32, #tpu.memory_space<hbm>> -> memref<4992xf32, #tpu.memory_space<hbm>>
      %dma_wait3A_28 = tpu.memref_slice %arg4[%mul3A_2] : memref<160000xf32, #tpu.memory_space<hbm>> -> memref<4992xf32, #tpu.memory_space<hbm>>
      tpu.wait_dma2 semaphore(%run_scoped3A : memref<!tpu.dma_semaphore, #tpu.memory_space<semaphore_mem>>) src(%arg9 : memref<4992xf32, #tpu.memory_space<vmem>>) dst(%dma_wait3A_28 : memref<4992xf32, #tpu.memory_space<hbm>>)
      tpu.yield
    }) : () -> ()
    %lt3A = arith.constant 2 : i32
    %lt3A_23 = arith.cmpi slt, %add3A, %lt3A : i32
    %convert_element_type3A = arith.extui %lt3A_23 : i1 to i32
    %cond3A = arith.constant 0 : i32
    %cond3A_24 = arith.cmpi ne, %convert_element_type3A, %cond3A : i32
    scf.if %cond3A_24 {
      %mul3A_25 = arith.constant 128 : i32
      %mul3A_26 = arith.muli %add3A, %mul3A_25 : i32
      %add3A_27 = arith.constant 159744 : i32
      %add3A_28 = arith.addi %add3A_27, %mul3A_26 : i32
      "tpu.region"() ({
        %run_scoped3A = tpu.sem_alloc : memref<!tpu.dma_semaphore, #tpu.memory_space<semaphore_mem>>
        %dma_start3A_32 = arith.constant 0 : i32
        %dma_start3A_33 = tpu.memref_slice %arg2[%dma_start3A_32, %add3A_28] : memref<2x160000xi32, #tpu.memory_space<hbm>> -> memref<2x128xi32, #tpu.memory_space<hbm>>
        %dma_start3A_34 = arith.constant 0 : i32
        %dma_start3A_35 = tpu.memref_slice %arg2[%dma_start3A_34, %add3A_28] : memref<2x160000xi32, #tpu.memory_space<hbm>> -> memref<2x128xi32, #tpu.memory_space<hbm>>
        tpu.enqueue_dma source(%dma_start3A_35 : memref<2x128xi32, #tpu.memory_space<hbm>>) target(%arg7 : memref<2x128xi32, #tpu.memory_space<vmem>>) target_semaphore(%run_scoped3A : memref<!tpu.dma_semaphore, #tpu.memory_space<semaphore_mem>>)
        %dma_wait3A_36 = arith.constant 0 : i32
        %dma_wait3A_37 = tpu.memref_slice %arg2[%dma_wait3A_36, %add3A_28] : memref<2x160000xi32, #tpu.memory_space<hbm>> -> memref<2x128xi32, #tpu.memory_space<hbm>>
        %dma_wait3A_38 = arith.constant 0 : i32
        %dma_wait3A_39 = tpu.memref_slice %arg2[%dma_wait3A_38, %add3A_28] : memref<2x160000xi32, #tpu.memory_space<hbm>> -> memref<2x128xi32, #tpu.memory_space<hbm>>
        tpu.wait_dma2 semaphore(%run_scoped3A : memref<!tpu.dma_semaphore, #tpu.memory_space<semaphore_mem>>) src(%dma_wait3A_39 : memref<2x128xi32, #tpu.memory_space<hbm>>) dst(%arg7 : memref<2x128xi32, #tpu.memory_space<vmem>>)
        tpu.yield
      }) : () -> ()
      %parallel_loop3A_29 = arith.constant 0 : i32
      %parallel_loop3A_30 = arith.constant 128 : i32
      %parallel_loop3A_31 = arith.constant 16 : i32
      scf.for %parallel_loop3A_32 = %parallel_loop3A_29 to %parallel_loop3A_30 step %parallel_loop3A_31  : i32 {
        %parallel_loop3A_33 = arith.constant 0 : i32
        %parallel_loop3A_34 = arith.index_cast %parallel_loop3A_33 : i32 to index
        %parallel_loop3A_35 = arith.index_cast %parallel_loop3A_32 : i32 to index
        %parallel_loop3A_36 = tpu.vector_load %arg7[%parallel_loop3A_34, %parallel_loop3A_35] {strides = array<i32>} : memref<2x128xi32, #tpu.memory_space<vmem>>, vector<16xi32>,
        %parallel_loop3A_37 = arith.constant 1 : i32
        %parallel_loop3A_38 = arith.index_cast %parallel_loop3A_37 : i32 to index
        %parallel_loop3A_39 = arith.index_cast %parallel_loop3A_32 : i32 to index
        %parallel_loop3A_40 = tpu.vector_load %arg7[%parallel_loop3A_38, %parallel_loop3A_39] {strides = array<i32>} : memref<2x128xi32, #tpu.memory_space<vmem>>, vector<16xi32>,
        %parallel_loop3A_41 = arith.constant 5000 : i32
        %parallel_loop3A_42 = vector.broadcast %parallel_loop3A_41 : i32 to vector<16xi32>
        %parallel_loop3A_43 = arith.cmpi slt, %parallel_loop3A_36, %parallel_loop3A_42 : vector<16xi32>
        %parallel_loop3A_44 = arith.constant 5000 : i32
        %parallel_loop3A_45 = vector.broadcast %parallel_loop3A_44 : i32 to vector<16xi32>
        %parallel_loop3A_46 = arith.addi %parallel_loop3A_36, %parallel_loop3A_45 : vector<16xi32>
        %parallel_loop3A_47 = arith.select %parallel_loop3A_43, %parallel_loop3A_36, %parallel_loop3A_46 : vector<16xi1>, vector<16xi32>
        %parallel_loop3A_48 = arith.constant 5000 : i32
        %parallel_loop3A_49 = vector.broadcast %parallel_loop3A_48 : i32 to vector<16xi32>
        %parallel_loop3A_50 = arith.cmpi slt, %parallel_loop3A_40, %parallel_loop3A_49 : vector<16xi32>
        %parallel_loop3A_51 = arith.constant 5000 : i32
        %parallel_loop3A_52 = vector.broadcast %parallel_loop3A_51 : i32 to vector<16xi32>
        %parallel_loop3A_53 = arith.addi %parallel_loop3A_40, %parallel_loop3A_52 : vector<16xi32>
        %parallel_loop3A_54 = arith.constant 10000 : i32
        %parallel_loop3A_55 = vector.broadcast %parallel_loop3A_54 : i32 to vector<16xi32>
        %parallel_loop3A_56 = arith.addi %parallel_loop3A_40, %parallel_loop3A_55 : vector<16xi32>
        %parallel_loop3A_57 = arith.select %parallel_loop3A_50, %parallel_loop3A_53, %parallel_loop3A_56 : vector<16xi1>, vector<16xi32>
        %parallel_loop3A_58 = tpu.vector_load_idx %arg8[%parallel_loop3A_47] : memref<20000xf32, #tpu.memory_space<vmem>>[vector<16xi32>], vector<16xf32>,
        %parallel_loop3A_59 = tpu.vector_load_idx %arg8[%parallel_loop3A_57] : memref<20000xf32, #tpu.memory_space<vmem>>[vector<16xi32>], vector<16xf32>,
        %parallel_loop3A_60 = arith.addf %parallel_loop3A_58, %parallel_loop3A_59 : vector<16xf32>
        %parallel_loop3A_61 = arith.index_cast %parallel_loop3A_32 : i32 to index
        %parallel_loop3A_62 = tpu.vector_load %arg10[%parallel_loop3A_61] {strides = array<i32>} : memref<128xf32, #tpu.memory_space<vmem>>, vector<16xf32>,
        tpu.vector_store %arg10[%parallel_loop3A_61], %parallel_loop3A_60 {strides = array<i32>} : memref<128xf32, #tpu.memory_space<vmem>>, vector<16xf32>,
      } {sc.loop_unroll_factor = 8 : i64, sc.parallel_access}
      "tpu.region"() ({
        %run_scoped3A = tpu.sem_alloc : memref<!tpu.dma_semaphore, #tpu.memory_space<semaphore_mem>>
        %dma_start3A_32 = tpu.memref_slice %arg4[%add3A_28] : memref<160000xf32, #tpu.memory_space<hbm>> -> memref<128xf32, #tpu.memory_space<hbm>>
        %dma_start3A_33 = tpu.memref_slice %arg4[%add3A_28] : memref<160000xf32, #tpu.memory_space<hbm>> -> memref<128xf32, #tpu.memory_space<hbm>>
        tpu.enqueue_dma source(%arg10 : memref<128xf32, #tpu.memory_space<vmem>>) target(%dma_start3A_33 : memref<128xf32, #tpu.memory_space<hbm>>) target_semaphore(%run_scoped3A : memref<!tpu.dma_semaphore, #tpu.memory_space<semaphore_mem>>)
        %dma_wait3A_34 = tpu.memref_slice %arg4[%add3A_28] : memref<160000xf32, #tpu.memory_space<hbm>> -> memref<128xf32, #tpu.memory_space<hbm>>
        %dma_wait3A_35 = tpu.memref_slice %arg4[%add3A_28] : memref<160000xf32, #tpu.memory_space<hbm>> -> memref<128xf32, #tpu.memory_space<hbm>>
        tpu.wait_dma2 semaphore(%run_scoped3A : memref<!tpu.dma_semaphore, #tpu.memory_space<semaphore_mem>>) src(%arg10 : memref<128xf32, #tpu.memory_space<vmem>>) dst(%dma_wait3A_35 : memref<128xf32, #tpu.memory_space<hbm>>)
        tpu.yield
      }) : () -> ()
    } else {
    }
    return
  }
}

module attributes {stable_mosaic.version = 14 : i64} {
  func.func @body(%arg0: i32, %arg1: memref<5000x256xf32, #tpu.memory_space<vmem>>, %arg2: memref<1x512xf32, #tpu.memory_space<vmem>>, %arg3: memref<1x2x5000xf32, #tpu.memory_space<vmem>>) attributes {dimension_semantics = [#tpu.dimension_semantics<parallel>], iteration_bounds = array<i64: 2>, scalar_prefetch = 0 : i64, scratch_operands = 0 : i64, tpu.core_type = #tpu.core_type<tc>, window_params = [{transform_indices = @transform_0, window_bounds = array<i64: 5000, 256>}, {pipeline_mode = #tpu.pipeline_mode<synchronous>, transform_indices = @transform_1, window_bounds = array<i64: 1, 512>}, {transform_indices = @transform_2, window_bounds = array<i64: 1, 2, 5000>}]} {
    %get3A = arith.constant 0 : index
    %get3A_0 = arith.constant 0 : index
    %get3A_1 = vector.load %arg2[%get3A, %get3A_0] : memref<1x512xf32, #tpu.memory_space<vmem>>, vector<1x256xf32>
    %get3A_2 = arith.constant 0 : index
    %get3A_3 = arith.constant 256 : index
    %get3A_4 = vector.load %arg2[%get3A_2, %get3A_3] : memref<1x512xf32, #tpu.memory_space<vmem>>, vector<1x256xf32>
    %concatenate3A = tpu.concatenate %get3A_1, %get3A_4 in 0 : vector<1x256xf32>, vector<1x256xf32> -> vector<2x256xf32>
    %get3A_5 = arith.constant 0 : index
    %get3A_6 = arith.constant 0 : index
    %get3A_7 = vector.load %arg1[%get3A_5, %get3A_6] : memref<5000x256xf32, #tpu.memory_space<vmem>>, vector<5000x256xf32>
    %dot_general3A = arith.constant dense<0.000000e+00> : vector<2x5000xf32>
    %dot_general3A_8 = tpu.matmul %concatenate3A, %get3A_7, %dot_general3A {dimension_numbers = #tpu.dot_dimension_numbers<[1], [1], [0], [0], [0, 0, 1, 0], [], []>, transpose_lhs_hint = false} : vector<2x256xf32>, vector<5000x256xf32>, vector<2x5000xf32> -> vector<2x5000xf32>
    %swap3A = arith.constant 0 : index
    %swap3A_9 = arith.constant 0 : index
    %swap3A_10 = arith.constant 0 : index
    %swap3A_11 = vector.load %arg3[%swap3A, %swap3A_9, %swap3A_10] : memref<1x2x5000xf32, #tpu.memory_space<vmem>>, vector<1x2x5000xf32>
    %swap3A_12 = vector.shape_cast %swap3A_11 : vector<1x2x5000xf32> to vector<2x5000xf32>
    %swap3A_13 = vector.shape_cast %dot_general3A_8 : vector<2x5000xf32> to vector<1x2x5000xf32>
    tpu.vector_store %arg3[%swap3A, %swap3A_9, %swap3A_10], %swap3A_13 {strides = array<i32>} : memref<1x2x5000xf32, #tpu.memory_space<vmem>>, vector<1x2x5000xf32>,
    return
  }
  func.func @transform_0(%arg0: i32) -> (i32, i32) {
    %c0_i32 = arith.constant 0 : i32
    %c0_i32_0 = arith.constant 0 : i32
    return %arg0, %c0_i32 : i32, i32
  }
  func.func @transform_1(%arg0: i32) -> (i32, i32) {
    %c0_i32 = arith.constant 0 : i32
    %c0_i32_0 = arith.constant 0 : i32
    %c0_i32_1 = arith.constant 0 : i32
    return %c0_i32, %c0_i32_0 : i32, i32
  }
  func.func @transform_2(%arg0: i32) -> (i32, i32, i32) {
    %c0_i32 = arith.constant 0 : i32
    %c0_i32_0 = arith.constant 0 : i32
    %c0_i32_1 = arith.constant 0 : i32
    return %arg0, %c0_i32, %c0_i32_0 : i32, i32, i32
  }
}

module attributes {stable_mosaic.version = 14 : i64} {
  func.func @_norm_body(%arg0: memref<1250x128xf32, #tpu.memory_space<vmem>>, %arg1: memref<1250x128xf32, #tpu.memory_space<vmem>>) attributes {dimension_semantics = [], scalar_prefetch = 0 : i64, scratch_operands = 0 : i64, tpu.core_type = #tpu.core_type<tc>} {
    %get3A = arith.constant 0 : index
    %get3A_0 = arith.constant 0 : index
    %get3A_1 = vector.load %arg0[%get3A, %get3A_0] : memref<1250x128xf32, #tpu.memory_space<vmem>>, vector<1250x128xf32>
    %reduce_sum3A = vector.shape_cast %get3A_1 : vector<1250x128xf32> to vector<1x1250x128xf32>
    %reduce_sum3A_2 = arith.constant dense<0.000000e+00> : vector<1xf32>
    %reduce_sum3A_3 = vector.multi_reduction <add>, %reduce_sum3A, %reduce_sum3A_2 [1, 2] : vector<1x1250x128xf32> to vector<1xf32>
    %reduce_sum3A_4 = vector.shape_cast %reduce_sum3A_3 : vector<1xf32> to vector<1x1x1xf32>
    %reduce_sum3A_5 = vector.extract %reduce_sum3A_4[0, 0, 0] : f32 from vector<1x1x1xf32>
    %mul3A = arith.mulf %get3A_1, %get3A_1 : vector<1250x128xf32>
    %reduce_sum3A_6 = vector.shape_cast %mul3A : vector<1250x128xf32> to vector<1x1250x128xf32>
    %reduce_sum3A_7 = arith.constant dense<0.000000e+00> : vector<1xf32>
    %reduce_sum3A_8 = vector.multi_reduction <add>, %reduce_sum3A_6, %reduce_sum3A_7 [1, 2] : vector<1x1250x128xf32> to vector<1xf32>
    %reduce_sum3A_9 = vector.shape_cast %reduce_sum3A_8 : vector<1xf32> to vector<1x1x1xf32>
    %reduce_sum3A_10 = vector.extract %reduce_sum3A_9[0, 0, 0] : f32 from vector<1x1x1xf32>
    %div3A = arith.constant 1.600000e+05 : f32
    %div3A_11 = arith.divf %reduce_sum3A_5, %div3A : f32
    %mul3A_12 = arith.mulf %reduce_sum3A_5, %reduce_sum3A_5 : f32
    %div3A_13 = arith.constant 1.600000e+05 : f32
    %div3A_14 = arith.divf %mul3A_12, %div3A_13 : f32
    %sub3A = arith.subf %reduce_sum3A_10, %div3A_14 : f32
    %sub3A_15 = arith.constant 1.600000e+05 : f32
    %sub3A_16 = arith.constant 1.000000e+00 : f32
    %sub3A_17 = arith.subf %sub3A_15, %sub3A_16 : f32
    %div3A_18 = arith.divf %sub3A, %sub3A_17 : f32
    %rsqrt3A = math.rsqrt %div3A_18 : f32
    %sub3A_19 = vector.broadcast %div3A_11 : f32 to vector<1250x128xf32>
    %sub3A_20 = arith.subf %get3A_1, %sub3A_19 : vector<1250x128xf32>
    %mul3A_21 = vector.broadcast %rsqrt3A : f32 to vector<1250x128xf32>
    %mul3A_22 = arith.mulf %sub3A_20, %mul3A_21 : vector<1250x128xf32>
    %logistic3A = arith.negf %mul3A_22 : vector<1250x128xf32>
    %logistic3A_23 = math.exp %logistic3A : vector<1250x128xf32>
    %logistic3A_24 = arith.constant 1.000000e+00 : f32
    %logistic3A_25 = vector.broadcast %logistic3A_24 : f32 to vector<1250x128xf32>
    %logistic3A_26 = arith.addf %logistic3A_25, %logistic3A_23 : vector<1250x128xf32>
    %logistic3A_27 = arith.divf %logistic3A_25, %logistic3A_26 : vector<1250x128xf32>
    %swap3A = arith.constant 0 : index
    %swap3A_28 = arith.constant 0 : index
    %swap3A_29 = vector.load %arg1[%swap3A, %swap3A_28] : memref<1250x128xf32, #tpu.memory_space<vmem>>, vector<1250x128xf32>
    tpu.vector_store %arg1[%swap3A, %swap3A_28], %logistic3A_27 {strides = array<i32>} : memref<1250x128xf32, #tpu.memory_space<vmem>>, vector<1250x128xf32>,
    return
  }
}

</mosaic_0001>

<sc_bundles>
// kernel: kernel.5.cloned.1.call-start
scs
__scs_entry_jumppad:
0x0: {  	(pc) =	sbr.rel $0x88, $3  }
0x1: {  	(tag) =	ssettag $0x0;
	lr =	simm.s32 $0x1  }
0x2: {  	[smem:$0x3F9E] =	sst lr;
	_ =	strace $0xD0000000  }
0x3: {  	_ = 	snop  }
0x4: {  	_ = 	snop  }
0x5: {  	_ = 	snop  }
0x6: {  	_ = 	snop  }
0x7: {  	_ = 	snop  }
__scs_overlays_trampoline_lowered:
0x8: {  	[smem:$0x3FAD] =	sst s0  }
0x9: {  	[smem:$0x3FAE] =	sst s1  }
0xa: {  	[smem:$0x3FAF] =	sst s2  }
0xb: {  	[smem:$0x3FB0] =	sst s3  }
0xc: {  	[smem:$0x3FB1] =	sst s4  }
0xd: {  	[smem:$0x3FB2] =	sst s5  }
0xe: {  	[smem:$0x3FB3] =	sst s6  }
0xf: {  	[smem:$0x3FB4] =	sst s7  }
0x10: {  	[smem:$0x3FB5] =	sst s8  }
0x11: {  	[smem:$0x3FB6] =	sst s9;
	s0 =	simm.s32 @!p0 $0x0  }
0x12: {  	s1 =	sld [smem:$0x3F9C];
	s0 =	simm.s32 @p0 $0x1  }
0x13: {  	[smem:$0x3FB7] =	sst s0;
	s0 =	simm.s32 @!p1 $0x0  }
0x14: {  	s2 =	sld [smem:$0x3F9B];
	s0 =	simm.s32 @p1 $0x1  }
0x15: {  	[smem:$0x3FB8] =	sst s0;
	s0 =	simm.s32 @!p2 $0x0  }
0x16: {  	s3 =	sld [smem:$0x3FDB];
	s0 =	simm.s32 @p2 $0x1  }
0x17: {  	s4 =	simm.s32 $0x1BF5;
	[smem:$0x3FBA] =	sst s0  }
0x18: {  	s0 =	sld [smem:$0x3F9D];
	_ =	swait.ge [sflag:s4], $0x0  }
0x19: {  	s7 =	sld [smem:$0x3F9E]  }
0x1a: {  	s8 =	sadd.s32 $0xFFFFE003, lr  }
0x1b: {  	s9 =	sadd.s32 $0xFFFFFEF7, lr;
	s5 =	simm.s32 $0xFFFFFFFF;
	p2 =	slt.u32 s8, $0xFFFFF086  }
0x1c: {  	p1 =	slt.u32 s9, $0xF7A;
	s5 =	simm.s32 @!p2 $0x0  }
0x1d: {  	s5 =	simm.s32 @p1 $0x1;
	p0 =	seq.s32 s7, s2  }
0x1e: {  	s7 =	smul.u32 @!p0 $0xF7A, s2;
	p2 =	seq.s32 @!p0 s5, $0x0  }
0x1f: {  	s9 =	smul.u32 $0xF7A, s1;
	s8 =	simm.s32 @!p0 $0x1BF5;
	p2 =	por !p2, p0  }
0x20: {  	[sflag:s8] =	ssyncset.s32 @!p0 $0xFFFFF086;
	s6 =	sadd.s32 @!p0 s3, s7;
	s7 =	simm.s32 @!p0 $0x108  }
0x21: {  	s3 =	sadd.s32 s3, s9;
	s6 =	sadd.s32 @!p0 $0x88, s6;
	s7 =	simm.s32 @p2 $0x1082  }
0x22: {  	[simem:s7], [sflag:s8] =	dma.local @!p0 [hbm:s6], $0xF7A  }
0x23: {  	s9 =	sor.u32 $0xD0000000, s2;
	s6 =	simm.s32 $0x108;
	_ =	swait.ge @!p0 [sflag:s8], $0x0  }
0x24: {  	s3 =	sadd.s32 $0x88, s3;
	s6 =	simm.s32 @!p1 $0x1082;
	[sflag:s4] =	ssyncset.s32 $0xFFFFF086  }
0x25: {  	[simem:s6], [sflag:s4] =	dma.local [hbm:s3], $0xF7A  }
0x26: {  	[smem:$0x3F9E] =	sst s1;
	(tag) =	ssettag s2;
	_ =	strace s9  }
0x27: {  	s1 =	sld [smem:$0x3FAE]  }
0x28: {  	s2 =	sld [smem:$0x3FAF]  }
0x29: {  	s4 =	sld [smem:$0x3FB1]  }
0x2a: {  	p0 =	seq.s32 s5, $0x0;
	s5 =	sld [smem:$0x3FB2]  }
0x2b: {  	s6 =	sld [smem:$0x3FB3]  }
0x2c: {  	s7 =	sld [smem:$0x3FB4]  }
0x2d: {  	s3 =	simm.s32 $0x108;
	s8 =	sld [smem:$0x3FB5]  }
0x2e: {  	s3 =	simm.s32 @!p0 $0x1082;
	s9 =	sld [smem:$0x3FB6]  }
0x2f: {  	lr =	sadd.s32 s0, s3;
	s0 =	sld [smem:$0x3FAD]  }
0x30: {  	s3 =	sld [smem:$0x3FB0]  }
0x31: {  	[smem:$0x3FB9] =	sst s10  }
0x32: {  	s10 =	sld [smem:$0x3FB7];
	_ =	sdelay $0x3  }
0x33: {  	p0 =	seq.s32 s10, $0x1;
	s10 =	sld [smem:$0x3FB9];
	_ =	sdelay $0x3  }
0x34: {  	[smem:$0x3FB9] =	sst s10  }
0x35: {  	s10 =	sld [smem:$0x3FB8];
	_ =	sdelay $0x3  }
0x36: {  	p1 =	seq.s32 s10, $0x1;
	s10 =	sld [smem:$0x3FB9];
	_ =	sdelay $0x3  }
0x37: {  	[smem:$0x3FB9] =	sst s10  }
0x38: {  	s10 =	sld [smem:$0x3FBA]  }
0x39: {  	_ = 	snop;
	(pc) =	sbr.ind lr, $3  }
0x3a: {  	_ = 	snop  }
0x3b: {  	_ = 	snop  }
0x3c: {  	p2 =	seq.s32 s10, $0x1;
	s10 =	sld [smem:$0x3FB9]  }
0x3d: {  	_ =	shalt  }
0x3e: {  	_ =	shalt  }
0x3f: {  	_ =	shalt  }
0x40: {  	_ =	shalt  }
0x41: {  	_ =	shalt  }
0x42: {  	_ =	shalt  }
0x43: {  	_ =	shalt  }
0x44: {  	_ =	shalt  }
0x45: {  	_ =	shalt  }
0x46: {  	_ =	shalt  }
0x47: {  	_ =	shalt  }
0x48: {  	_ =	shalt  }
0x49: {  	_ =	shalt  }
0x4a: {  	_ =	shalt  }
0x4b: {  	_ =	shalt  }
0x4c: {  	_ =	shalt  }
0x4d: {  	_ =	shalt  }
0x4e: {  	_ =	shalt  }
0x4f: {  	_ =	shalt  }
0x50: {  	_ =	shalt  }
0x51: {  	_ =	shalt  }
0x52: {  	_ =	shalt  }
0x53: {  	_ =	shalt  }
0x54: {  	_ =	shalt  }
0x55: {  	_ =	shalt  }
0x56: {  	_ =	shalt  }
0x57: {  	_ =	shalt  }
0x58: {  	_ =	shalt  }
0x59: {  	_ =	shalt  }
0x5a: {  	_ =	shalt  }
0x5b: {  	_ =	shalt  }
0x5c: {  	_ =	shalt  }
0x5d: {  	_ =	shalt  }
0x5e: {  	_ =	shalt  }
0x5f: {  	_ =	shalt  }
0x60: {  	_ =	shalt  }
0x61: {  	_ =	shalt  }
0x62: {  	_ =	shalt  }
0x63: {  	_ =	shalt  }
0x64: {  	_ =	shalt  }
0x65: {  	_ =	shalt  }
0x66: {  	_ =	shalt  }
0x67: {  	_ =	shalt  }
0x68: {  	_ =	shalt  }
0x69: {  	_ =	shalt  }
0x6a: {  	_ =	shalt  }
0x6b: {  	_ =	shalt  }
0x6c: {  	_ =	shalt  }
0x6d: {  	_ =	shalt  }
0x6e: {  	_ =	shalt  }
0x6f: {  	_ =	shalt  }
0x70: {  	_ =	shalt  }
0x71: {  	_ =	shalt  }
0x72: {  	_ =	shalt  }
0x73: {  	_ =	shalt  }
0x74: {  	_ =	shalt  }
0x75: {  	_ =	shalt  }
0x76: {  	_ =	shalt  }
0x77: {  	_ =	shalt  }
0x78: {  	_ =	shalt  }
0x79: {  	_ =	shalt  }
0x7a: {  	_ =	shalt  }
0x7b: {  	_ =	shalt  }
0x7c: {  	_ =	shalt  }
0x7d: {  	_ =	shalt  }
0x7e: {  	_ =	shalt  }
0x7f: {  	_ =	shalt  }
0x80: {  	_ =	shalt  }
0x81: {  	_ =	shalt  }
0x82: {  	_ =	shalt  }
0x83: {  	_ =	shalt  }
0x84: {  	_ =	shalt  }
0x85: {  	_ =	shalt  }
0x86: {  	_ =	shalt  }
0x87: {  	_ =	shalt  }
.Lfunc_end0:
.L_simem_size_0:
called_computation_lowered:
.L_overlay_start_0:
0x88: {  	s2 =	sld [smem:$0x3FD9]  }
0x89: {  	s3 =	sld [smem:$0x3FFE];
	_ =	sdelay $0x1  }
0x8a: {  	s1 =	srdreg.scid  }
0x8b: {  	s0 =	sand.u32 $0x1, s1  }
0x8c: {  	s17 =	sshll.u32 s0, $0xA;
	s2 =	sadd.s32 s3, s2  }
0x8d: {  	s2 =	sadd.s32 s2, s17  }
0x8e: {  	[smem:$0x3FC5] =	sst s2  }
0x8f: {  	_ = 	snop  }
0x90: {  	s2 =	sld [smem:$0x3FC8]  }
0x91: {  	s18 =	sld [smem:$0x3FD0];
	(tm) =	ssettm $0x1  }
0x92: {  	s4 =	sld [smem:$0x3FFB];
	_ =	sdelay $0x3  }
0x93: {  	_ =	strace s4  }
0x94: {  	s4 =	sld [smem:$0x3FFC];
	_ =	sdelay $0x3  }
0x95: {  	_ =	strace s4  }
0x96: {  	s4 =	sld [smem:$0x3FFD];
	_ =	sdelay $0x3  }
0x97: {  	_ =	strace s4  }
0x98: {  	_ =	strace $0x8FFFFFFF  }
0x99: {  	s19 =	sld [smem:$0x3FDB];
	_ =	sdelay $0x1  }
0x9a: {  	s5 =	simm.s32 $_scs_section_size  }
0x9b: {  	s6 =	simm.s32 $_size__tile_overlayer_lowered;
	s7 =	simm.s32 $_tile_overlayer_lowered  }
0x9c: {  	s22 =	simm.s32 $0x1BFF;
	s21 =	sshll.u32 s7, $0x1;
	s4 =	sadd.s32 s5, s19  }
0x9d: {  	s8 =	simm.s32 $0x0;
	s20 =	sshll.u32 s6, $0x1;
	s6 =	sadd.s32 s21, s4  }
0x9e: {  	[timem:s8], [sflag:s22] =	dma.local [hbm:s6], s20  }
0x9f: {  	_ =	swait.ge [sflag:s22], s20  }
0xa0: {  	s5 =	ssub.s32 $0x0, s20;
	[sflag:s22] =	ssyncset.done $0x0  }
0xa1: {  	[sflag:s22] =	ssyncadd.s32 s5;
	_ =	sdelay $0x1  }
0xa2: {  	s23 =	simm.s32 $0x1B8B  }
0xa3: {  	_ =	swait.ge [sflag:s23], $0x1  }
0xa4: {  	[sflag:s23] =	ssyncset.done $0x0  }
0xa5: {  	s25 =	simm.s32 $0x1B8E;
	s24 =	sld [smem:$0x3FFE];
	[sflag:s23] =	ssyncadd.s32 $0xFFFFFFFF  }
0xa6: {  	s26 =	simm.s32 $execute0_lowered;
	[smem:$0x3FD2] =	sst s25  }
0xa7: {  	s6 =	sshll.u32 s26, $0x1;
	_ =	strace $0x80000046;
	[dreg:$0x1] =	wrdreg $0xFFFFFFFF  }
0xa8: {  	s28 =	simm.s32 $_size_execute0_lowered;
	s4 =	sadd.s32 s4, s6;
	[dreg:$0x0] =	wrdreg $0x0  }
0xa9: {  	s6 =	sshll.u32 s28, $0x1;
	[dreg:$0x2] =	wrdreg s4  }
0xaa: {  	[dreg:$0x3] =	wrdreg s6  }
0xab: {  	[dreg:$0x4] =	wrdreg $0xC0  }
0xac: {  	_ =	task [dreg:s8], $0x5FFFF  }
0xad: {  	[dreg:$0x1] =	wrdreg $0xFFFFFFFF  }
0xae: {  	[dreg:$0x0] =	wrdreg $0x60  }
0xaf: {  	[dreg:$0x2] =	wrdreg s2  }
0xb0: {  	[dreg:$0x3] =	wrdreg s24  }
0xb1: {  	[dreg:$0x4] =	wrdreg s18  }
0xb2: {  	[dreg:$0x5] =	wrdreg $0x9  }
0xb3: {  	_ =	task.clear_ibuf [dreg:s8], $0x6FFFF;
	_ =	strace $0x90000046  }
0xb4: {  	s29 =	simm.s32 $0x9;
	_ =	strace $0x80000048  }
0xb5: {  	_ =	swait.ge [sflag:s29], $0x1  }
0xb6: {  	[sflag:s29] =	ssyncadd.s32 $0xFFFFFFFF  }
0xb7: {  	_ =	strace $0x90000048  }
0xb8: {  	_ =	sfence  }
0xb9: {  	s30 =	sld [smem:$0x0];
	_ =	sdelay $0x2  }
0xba: {  	s31 =	sshll.u32 s1, $0xD;
	s1 =	sshrl.u32 s1, $0x2  }
0xbb: {  	s3 =	sand.u32 $0x4000, s31;
	s1 =	sadd.s32 s1, s30  }
0xbc: {  	s0 =	sor.u32 s3, s0;
	s1 =	sshll.u32 s1, $0x11  }
0xbd: {  	s0 =	sor.u32 s1, s0  }
0xbe: {  	s0 =	sadd.s32 $0x8F2B, s0  }
0xbf: {  	[sflag:s0] =	ssyncadd.remote.s32 $0x1  }
0xc0: {  	_ =	sfence.sel $0xFFFF  }
0xc1: {  	[dreg:$0x0] =	wrdreg $0xFFFFFFFF;
	(pc) =	sbr.abs _section_cstart, $3  }
0xc2: {  	[dreg:$0x1] =	wrdreg $0xFFFFFFFF  }
0xc3: {  	_ =	task.clear_ibuf [dreg:s8], $0x2FFFF;
	_ =	strace $0x9FFFFFFF  }
0xc4: {  	(tm) =	ssettm $0x7FFFFFFF  }
0xc5: {  	_ =	shalt  }
tec
execute0_lowered:
.L_overlay_start_1:
0x0: {  	(tag) =	ssettag $0x1  }
0x1: {  	s6 =	rddreg [dreg:$0x0]  }
0x2: {  	s2 =	rddreg [dreg:$0x1]  }
0x3: {  	s7 =	rddreg [dreg:$0x2];
	s1 =	srdreg.scid  }
0x4: {  	s14 =	stileid.u32;
	s0 =	rddreg [dreg:$0x3]  }
0x5: {  	s11 =	simm.s32 $0x1380;
	s12 =	simm.s32 $0x2800;
	s13 =	simm.s32 $0x1  }
0x6: {  	s15 =	simm.s32 $0x2;
	s16 =	simm.s32 $0x2700;
	s17 =	simm.s32 $0x8A00  }
0x7: {  	s18 =	simm.s32 $0x0;
	s4 =	sand.u32 $0x1, s1;
	s3 =	sshll.u32 s14, $0x1  }
0x8: {  	s1 =	simm.s32 $0x0;
	s2 =	sadd.s32 $0xA00, s2;
	s8 =	sor.u32 s4, s3  }
0x9: {  	p0 =	sne.s32 s14, $0x0;
	s14 =	simm.s32 $0x7680;
	s9 =	smul.u32 $0x4E0, s8  }
0xa: {  	s5 =	ssub.s32 $0x2, s4;
	[smem:$0x7FF] =	sst s1;
	s29 =	smul.u32 $0x270, s8  }
.Ltmp0:
0xb: {  	s30 =	sor.u32 $0x4E0, s4;
	s28 =	sshrl.u32 s5, $0x1;
	(pc) =	sbr.rel .LBB2_1-.Ltmp0, $4  }
0xc: {  	_ =	strace $0x80000047;
	s31 =	sshll.u32 s30, $0x5;
	s8 =	sshll.u32 s30, $0x4  }
0xd: {  	s10 =	ssub.s32 s5, s28;
	s3 =	sadd.s32 s6, s9;
	s5 =	sadd.s32 s7, s29  }
0xe: {  	s6 =	sadd.s32 s6, s31;
	s7 =	sadd.s32 s7, s8;
	s8 =	smax.u32 s10, $0x1  }
0xf: {  	v0 =	vimm.s32 $0x2710;
	s9 =	simm.s32 $0x80;
	s10 =	simm.s32 $0x100;
	s4 =	sadd.s32 $0x10, s3  }
.LBB2_5:
0x10: {  	s18 =	sadd.s32 $0x1, s18  }
0x11: {  	p1 =	sne.s32 s18, s8  }
.Ltmp1:
0x12: {  	_ = 	snop;
	(pc) =	sbr.rel @!p1 .LBB2_6-.Ltmp1, $1  }
0x13: {  	_ =	sdelay $0x3  }
.LBB2_1:
0x14: {  	[tilespmem:s1], [sflag:$0x1] =	stream.strided.gather [hbm4b:s3+s9], $0x1380, s10, s9, $0x38;
	[tilespmem:$0x8A80] =	vst v63  }
0x15: {  	_ = 	snop  }
0x16: {  	[tilespmem:s11], [sflag:$0x1] =	stream.strided.gather [hbm4b:s4+s9], $0x1380, s10, s9, $0x38;
	[tilespmem:$0x8A80] =	vst v63  }
0x17: {  	_ = 	snop  }
0x18: {  	[tilespmem:s12], [sflag:$0x1] =	stream.linear.gather [hbm4b:s2+s1], $0x4E80, $0x38;
	[tilespmem:$0x8A80] =	vst v63  }
0x19: {  	_ =	swait.ge [sflag:s13], $0x1380  }
0x1a: {  	[sflag:s13] =	ssyncset.done $0x0  }
0x1b: {  	[sflag:s13] =	ssyncadd.s32 $0xFFFFEC80  }
0x1c: {  	_ =	swait.ge [sflag:s13], $0x1380  }
0x1d: {  	[sflag:s13] =	ssyncset.done $0x0  }
0x1e: {  	[sflag:s13] =	ssyncadd.s32 $0xFFFFEC80  }
0x1f: {  	_ =	swait.ge [sflag:s13], $0x4E80  }
0x20: {  	[sflag:s13] =	ssyncset.done $0x0  }
0x21: {  	s20 =	simm.s32 $0x40;
	[sflag:s13] =	ssyncadd.s32 $0xFFFFB180  }
0x22: {  	s19 =	simm.s32 $0x13C0;
	v1 =	vld [tilespmem:s20+$0x30]  }
0x23: {  	v2 =	vld [tilespmem:s19+$0x30]  }
0x24: {  	v3 =	vld [tilespmem:s19+$0xFFFFFFC0]  }
0x25: {  	v4 =	vld [tilespmem:s19+$0xFFFFFFD0]  }
0x26: {  	v5 =	vld [tilespmem:s19+$0xFFFFFFE0]  }
0x27: {  	v6 =	vld [tilespmem:s19+$0xFFFFFFF0]  }
0x28: {  	v7 =	vld [tilespmem:s19+$0x0]  }
0x29: {  	v9 =	vld [tilespmem:s19+$0x10];
	vm0 =	vlt.s32 v1, $0x1388;
	v8 =	vadd.s32 $0x1388, v1;
	vm1 =	vlt.s32 v2, $0x1388  }
0x2a: {  	v10 =	vld [tilespmem:s19+$0x20];
	v1 =	vsel vm0, v1, v8;
	v8 =	vsel vm1, $0x1388, v0  }
0x2b: {  	v11 =	vld [tilespmem:s20+$0xFFFFFFE0];
	v2 =	vadd.s32 v2, v8  }
0x2c: {  	v12 =	vld [tilespmem:s20+$0xFFFFFFF0]  }
0x2d: {  	v15 =	vld [tilespmem:s20+$0x0];
	vm14 =	vlt.s32 v3, $0x1388  }
0x2e: {  	vm15 =	vlt.s32 v4, $0x1388;
	vm4 =	vlt.s32 v5, $0x1388;
	v13 =	vsel vm14, $0x1388, v0;
	v8 =	vld [tilespmem:s20+$0xFFFFFFD0]  }
0x2f: {  	vm5 =	vlt.s32 v6, $0x1388;
	v14 =	vld.idx.msk [tilespmem:v1+s12+$0x0], $0xffff;
	v1 =	vadd.s32 v3, v13;
	v3 =	vsel vm15, $0x1388, v0  }
0x30: {  	vm6 =	vlt.s32 v7, $0x1388;
	v13 =	vld.idx.msk [tilespmem:v2+s12+$0x0], $0xffff;
	v2 =	vadd.s32 v4, v3;
	v3 =	vsel vm4, $0x1388, v0  }
0x31: {  	v16 =	vld [tilespmem:s20+$0x10];
	vm7 =	vlt.s32 v9, $0x1388;
	v4 =	vsel vm5, $0x1388, v0;
	v3 =	vadd.s32 v5, v3  }
0x32: {  	v17 =	vld [tilespmem:s20+$0x20];
	vm8 =	vlt.s32 v10, $0x1388;
	v4 =	vadd.s32 v6, v4;
	v5 =	vsel vm6, $0x1388, v0  }
0x33: {  	vm10 =	vlt.s32 v11, $0x1388;
	v6 =	vsel vm7, $0x1388, v0;
	v5 =	vadd.s32 v7, v5;
	v7 =	vld [tilespmem:s20+$0xFFFFFFC0]  }
0x34: {  	v19 =	vadd.s32 $0x1388, v11;
	v18 =	vsel vm8, $0x1388, v0;
	v6 =	vadd.s32 v9, v6;
	v1 =	vld.idx.msk [tilespmem:v1+s12+$0x0], $0xffff  }
0x35: {  	v10 =	vadd.s32 v10, v18;
	vm9 =	vlt.s32 v8, $0x1388;
	v9 =	vadd.s32 $0x1388, v8;
	v62 =	vld.idx.msk [tilespmem:v2+s12+$0x0], $0xffff  }
0x36: {  	vm11 =	vlt.s32 v12, $0x1388;
	vm13 =	vlt.s32 v15, $0x1388;
	v8 =	vsel vm9, v8, v9;
	v2 =	vld.idx.msk [tilespmem:v3+s12+$0x0], $0xffff  }
0x37: {  	v63 =	vadd.s32 $0x1388, v15;
	v9 =	vsel vm10, v11, v19;
	v3 =	vadd.s32 $0x1388, v12;
	v4 =	vld.idx.msk [tilespmem:v4+s12+$0x0], $0xffff  }
0x38: {  	v15 =	vsel vm13, v15, v63;
	v11 =	vsel vm11, v12, v3;
	v3 =	vld.idx.msk [tilespmem:v5+s12+$0x0], $0xffff  }
0x39: {  	vm12 =	vlt.s32 v7, $0x1388;
	v12 =	vadd.s32 $0x1388, v7;
	v5 =	vld.idx.msk [tilespmem:v6+s12+$0x0], $0xffff  }
0x3a: {  	vm15 =	vlt.s32 v17, $0x1388;
	v6 =	vld.idx.msk [tilespmem:v10+s12+$0x0], $0xffff;
	v10 =	vadd.s32 $0x1388, v17;
	v7 =	vsel vm12, v7, v12  }
0x3b: {  	vm14 =	vlt.s32 v16, $0x1388;
	v12 =	vadd.s32 $0x1388, v16;
	v8 =	vld.idx.msk [tilespmem:v8+s12+$0x0], $0xffff;
	v17 =	vsel vm15, v17, v10  }
0x3c: {  	v16 =	vsel vm14, v16, v12;
	v12 =	vld.idx.msk [tilespmem:v9+s12+$0x0], $0xffff  }
0x3d: {  	v9 =	vld.idx.msk [tilespmem:v15+s12+$0x0], $0xffff  }
0x3e: {  	v13 =	vadd.f32 v13, v14;
	v11 =	vld.idx.msk [tilespmem:v11+s12+$0x0], $0xffff  }
0x3f: {  	s20 =	simm.s32 $0x76C0;
	v10 =	vld.idx.msk [tilespmem:v7+s12+$0x0], $0xffff  }
0x40: {  	[tilespmem:s20+$0x30] =	vst v13;
	v13 =	vadd.f32 v62, v8;
	v8 =	vld.idx.msk [tilespmem:v17+s12+$0x0], $0xffff  }
0x41: {  	s21 =	simm.s32 $0x0;
	s22 =	simm.s32 $0xC0;
	v7 =	vld.idx.msk [tilespmem:v16+s12+$0x0], $0xffff  }
.LBB2_2:
0x42: {  	v14 =	vld [tilespmem:s22+$0x30];
	v2 =	vadd.f32 v2, v12;
	s19 =	sadd.s32 $0x80, s19  }
0x43: {  	s21 =	sadd.s32 $0x80, s21;
	v4 =	vadd.f32 v4, v11;
	v12 =	vld [tilespmem:s19+$0x30];
	[tilespmem:s20+$0xFFFFFFD0] =	vst v13  }
0x44: {  	p1 =	slt.u32 s21, $0x1300;
	v1 =	vadd.f32 v1, v10;
	v11 =	vld [tilespmem:s19+$0xFFFFFFC0];
	[tilespmem:s20+$0xFFFFFFE0] =	vst v2  }
0x45: {  	v3 =	vadd.f32 v3, v9;
	v2 =	vld [tilespmem:s19+$0xFFFFFFD0];
	[tilespmem:s20+$0xFFFFFFF0] =	vst v4  }
0x46: {  	v4 =	vld [tilespmem:s19+$0xFFFFFFE0];
	[tilespmem:s20+$0xFFFFFFC0] =	vst v1;
	v1 =	vadd.f32 v5, v7  }
0x47: {  	v5 =	vld [tilespmem:s19+$0xFFFFFFF0];
	[tilespmem:s20+$0x0] =	vst v3;
	v3 =	vadd.f32 v6, v8  }
0x48: {  	vm0 =	vlt.s32 v14, $0x1388;
	v7 =	vadd.s32 $0x1388, v14;
	v6 =	vld [tilespmem:s19+$0x0];
	vm1 =	vlt.s32 v12, $0x1388;
	[tilespmem:s20+$0x10] =	vst v1  }
0x49: {  	v7 =	vsel vm0, v14, v7;
	vm2 =	vlt.s32 v11, $0x1388;
	v1 =	vld [tilespmem:s19+$0x10];
	v8 =	vsel vm1, $0x1388, v0;
	[tilespmem:s20+$0x20] =	vst v3  }
0x4a: {  	v3 =	vsel vm2, $0x1388, v0;
	vm0 =	vlt.s32 v2, $0x1388;
	v9 =	vld [tilespmem:s19+$0x20];
	v8 =	vadd.s32 v12, v8  }
0x4b: {  	v3 =	vadd.s32 v11, v3;
	v10 =	vld [tilespmem:s22+$0xFFFFFFD0];
	v11 =	vsel vm0, $0x1388, v0;
	vm0 =	vlt.s32 v4, $0x1388  }
0x4c: {  	v2 =	vadd.s32 v2, v11;
	v11 =	vld [tilespmem:s22+$0xFFFFFFE0];
	v12 =	vsel vm0, $0x1388, v0;
	vm0 =	vlt.s32 v5, $0x1388  }
0x4d: {  	v4 =	vadd.s32 v4, v12;
	v12 =	vld [tilespmem:s22+$0xFFFFFFF0];
	v13 =	vsel vm0, $0x1388, v0;
	vm0 =	vlt.s32 v6, $0x1388  }
0x4e: {  	v5 =	vadd.s32 v5, v13;
	v13 =	vsel vm0, $0x1388, v0;
	vm0 =	vlt.s32 v1, $0x1388;
	v7 =	vld.idx.msk [tilespmem:v7+s12+$0x0], $0xffff  }
0x4f: {  	v6 =	vadd.s32 v6, v13;
	v13 =	vsel vm0, $0x1388, v0;
	vm0 =	vlt.s32 v9, $0x1388;
	v8 =	vld.idx.msk [tilespmem:v8+s12+$0x0], $0xffff  }
0x50: {  	vm1 =	vlt.s32 v10, $0x1388;
	v14 =	vadd.s32 $0x1388, v10;
	v15 =	vld [tilespmem:s22+$0x0];
	v16 =	vsel vm0, $0x1388, v0  }
0x51: {  	v13 =	vadd.s32 v1, v13;
	vm0 =	vlt.s32 v11, $0x1388;
	v17 =	vadd.s32 $0x1388, v11;
	v18 =	vld [tilespmem:s22+$0x10]  }
0x52: {  	v9 =	vadd.s32 v9, v16;
	vm2 =	vlt.s32 v12, $0x1388;
	v1 =	vadd.s32 $0x1388, v12;
	v19 =	vld [tilespmem:s22+$0x20]  }
0x53: {  	v10 =	vsel vm1, v10, v14;
	v11 =	vsel vm0, v11, v17;
	v16 =	vld [tilespmem:s22+$0xFFFFFFC0];
	v14 =	vsel vm2, v12, v1  }
0x54: {  	v1 =	vld.idx.msk [tilespmem:v3+s12+$0x0], $0xffff  }
0x55: {  	v7 =	vadd.f32 v8, v7;
	v17 =	vld.idx.msk [tilespmem:v2+s12+$0x0], $0xffff;
	vm0 =	vlt.s32 v15, $0x1388;
	v3 =	vadd.s32 $0x1388, v15  }
0x56: {  	s20 =	sadd.s32 $0x80, s20;
	v2 =	vld.idx.msk [tilespmem:v4+s12+$0x0], $0xffff;
	v8 =	vsel vm0, v15, v3;
	vm0 =	vlt.s32 v18, $0x1388;
	v3 =	vadd.s32 $0x1388, v18  }
0x57: {  	v4 =	vld.idx.msk [tilespmem:v5+s12+$0x0], $0xffff;
	v15 =	vsel vm0, v18, v3;
	vm0 =	vlt.s32 v19, $0x1388;
	v5 =	vadd.s32 $0x1388, v19;
	[tilespmem:s20+$0x30] =	vst v7  }
0x58: {  	vm1 =	vlt.s32 v16, $0x1388;
	v7 =	vadd.s32 $0x1388, v16;
	v3 =	vld.idx.msk [tilespmem:v6+s12+$0x0], $0xffff;
	v18 =	vsel vm0, v19, v5  }
0x59: {  	v7 =	vsel vm1, v16, v7;
	v5 =	vld.idx.msk [tilespmem:v13+s12+$0x0], $0xffff  }
0x5a: {  	v6 =	vld.idx.msk [tilespmem:v9+s12+$0x0], $0xffff  }
0x5b: {  	v13 =	vld.idx.msk [tilespmem:v10+s12+$0x0], $0xffff  }
0x5c: {  	v12 =	vld.idx.msk [tilespmem:v11+s12+$0x0], $0xffff  }
.Ltmp2:
0x5d: {  	v11 =	vld.idx.msk [tilespmem:v14+s12+$0x0], $0xffff;
	(pc) =	sbr.rel @p1 .LBB2_2-.Ltmp2, $4  }
0x5e: {  	v10 =	vld.idx.msk [tilespmem:v7+s12+$0x0], $0xffff  }
0x5f: {  	v9 =	vld.idx.msk [tilespmem:v8+s12+$0x0], $0xffff  }
0x60: {  	v7 =	vld.idx.msk [tilespmem:v15+s12+$0x0], $0xffff  }
0x61: {  	s22 =	sadd.s32 $0x80, s22;
	v13 =	vadd.f32 v17, v13;
	v8 =	vld.idx.msk [tilespmem:v18+s12+$0x0], $0xffff  }
0x62: {  	v2 =	vadd.f32 v2, v12  }
0x63: {  	v4 =	vadd.f32 v4, v11;
	[tilespmem:s20+$0xFFFFFFD0] =	vst v13  }
0x64: {  	v1 =	vadd.f32 v1, v10;
	[tilespmem:s20+$0xFFFFFFE0] =	vst v2  }
0x65: {  	[tilespmem:s20+$0xFFFFFFF0] =	vst v4;
	v2 =	vadd.f32 v3, v9  }
0x66: {  	[tilespmem:s20+$0xFFFFFFC0] =	vst v1;
	v1 =	vadd.f32 v5, v7  }
0x67: {  	[tilespmem:s20+$0x0] =	vst v2;
	v2 =	vadd.f32 v6, v8  }
0x68: {  	[tilespmem:s20+$0x10] =	vst v1  }
.Ltmp3:
0x69: {  	[tilespmem:s20+$0x20] =	vst v2;
	(pc) =	sbr.rel @p0 .LBB2_5-.Ltmp3, $4  }
0x6a: {  	[hbm4b:s5+s1] =	stream.linear.scatter [tilespmem:s14], [sflag:$0x2], $0x1380, $0x38;
	[tilespmem:$0x8A80] =	vst v63  }
0x6b: {  	_ =	swait.ge [sflag:s15], $0x1380  }
0x6c: {  	[sflag:s15] =	ssyncset.done $0x0  }
0x6d: {  	[sflag:s15] =	ssyncadd.s32 $0xFFFFEC80  }
0x6e: {  	[tilespmem:s16], [sflag:$0x2] =	stream.linear.gather [hbm4b:s6+s1], $0x100, $0x38;
	[tilespmem:$0x8A80] =	vst v63  }
0x6f: {  	_ =	swait.ge [sflag:s15], $0x100  }
0x70: {  	[sflag:s15] =	ssyncset.done $0x0  }
0x71: {  	[sflag:s15] =	ssyncadd.s32 $0xFFFFFF00  }
0x72: {  	v1 =	vld [tilespmem:$0x2780]  }
0x73: {  	v2 =	vld [tilespmem:$0x2700]  }
0x74: {  	v3 =	vld [tilespmem:$0x2710]  }
0x75: {  	v4 =	vld [tilespmem:$0x2790]  }
0x76: {  	v50 =	vld [tilespmem:$0x27A0]  }
0x77: {  	v51 =	vld [tilespmem:$0x2720]  }
0x78: {  	v7 =	vld [tilespmem:$0x27B0]  }
0x79: {  	v8 =	vld [tilespmem:$0x2730]  }
0x7a: {  	v10 =	vld [tilespmem:$0x2740]  }
0x7b: {  	v9 =	vld [tilespmem:$0x27C0]  }
0x7c: {  	v13 =	vld [tilespmem:$0x27D0];
	vm0 =	vlt.s32 v1, $0x1388;
	vm1 =	vlt.s32 v2, $0x1388;
	v5 =	vadd.s32 $0x1388, v2  }
0x7d: {  	v52 =	vld [tilespmem:$0x2750];
	vm14 =	vlt.s32 v3, $0x1388;
	v48 =	vadd.s32 $0x1388, v3;
	v2 =	vsel vm1, v2, v5  }
0x7e: {  	v15 =	vld [tilespmem:$0x27E0];
	vm7 =	vlt.s32 v8, $0x1388;
	v53 =	vadd.s32 $0x1388, v8;
	v3 =	vsel vm14, v3, v48  }
0x7f: {  	v54 =	vld [tilespmem:$0x2760];
	vm9 =	vlt.s32 v10, $0x1388;
	v55 =	vadd.s32 $0x1388, v10;
	v8 =	vsel vm7, v8, v53  }
0x80: {  	v17 =	vld [tilespmem:$0x2770];
	vm15 =	vlt.s32 v4, $0x1388;
	v6 =	vsel vm0, $0x1388, v0;
	v10 =	vsel vm9, v10, v55  }
0x81: {  	v56 =	vld [tilespmem:$0x27F0];
	vm4 =	vlt.s32 v50, $0x1388;
	v49 =	vsel vm15, $0x1388, v0;
	v1 =	vadd.s32 v1, v6  }
0x82: {  	vm5 =	vlt.s32 v51, $0x1388;
	v11 =	vadd.s32 $0x1388, v51;
	v4 =	vadd.s32 v4, v49;
	v2 =	vld.idx.msk [tilespmem:v2+s12+$0x0], $0xffff  }
0x83: {  	vm6 =	vlt.s32 v7, $0x1388;
	v12 =	vsel vm4, $0x1388, v0;
	v6 =	vsel vm5, v51, v11;
	v3 =	vld.idx.msk [tilespmem:v3+s12+$0x0], $0xffff  }
0x84: {  	vm8 =	vlt.s32 v9, $0x1388;
	v14 =	vsel vm6, $0x1388, v0;
	v5 =	vadd.s32 v50, v12;
	v8 =	vld.idx.msk [tilespmem:v8+s12+$0x0], $0xffff  }
0x85: {  	vm10 =	vlt.s32 v13, $0x1388;
	v16 =	vsel vm8, $0x1388, v0;
	v7 =	vadd.s32 v7, v14;
	v10 =	vld.idx.msk [tilespmem:v10+s12+$0x0], $0xffff  }
0x86: {  	vm11 =	vlt.s32 v52, $0x1388;
	v57 =	vadd.s32 $0x1388, v52;
	v9 =	vadd.s32 v9, v16;
	v1 =	vld.idx.msk [tilespmem:v1+s12+$0x0], $0xffff  }
0x87: {  	vm12 =	vlt.s32 v15, $0x1388;
	v18 =	vsel vm10, $0x1388, v0;
	v11 =	vsel vm11, v52, v57;
	v4 =	vld.idx.msk [tilespmem:v4+s12+$0x0], $0xffff  }
0x88: {  	vm13 =	vlt.s32 v54, $0x1388;
	v58 =	vadd.s32 $0x1388, v54;
	v13 =	vadd.s32 v13, v18;
	v6 =	vld.idx.msk [tilespmem:v6+s12+$0x0], $0xffff  }
0x89: {  	v60 =	vadd.s32 $0x1388, v17;
	vm14 =	vlt.s32 v17, $0x1388;
	v12 =	vsel vm13, v54, v58;
	v5 =	vld.idx.msk [tilespmem:v5+s12+$0x0], $0xffff  }
0x8a: {  	v59 =	vsel vm12, $0x1388, v0;
	vm15 =	vlt.s32 v56, $0x1388;
	v16 =	vsel vm14, v17, v60;
	v7 =	vld.idx.msk [tilespmem:v7+s12+$0x0], $0xffff  }
0x8b: {  	v15 =	vadd.s32 v15, v59;
	v61 =	vsel vm15, $0x1388, v0;
	v9 =	vld.idx.msk [tilespmem:v9+s12+$0x0], $0xffff  }
0x8c: {  	v14 =	vadd.s32 v56, v61;
	v11 =	vld.idx.msk [tilespmem:v11+s12+$0x0], $0xffff  }
0x8d: {  	v13 =	vld.idx.msk [tilespmem:v13+s12+$0x0], $0xffff  }
0x8e: {  	v12 =	vld.idx.msk [tilespmem:v12+s12+$0x0], $0xffff  }
0x8f: {  	v62 =	vld.idx.msk [tilespmem:v16+s12+$0x0], $0xffff;
	v1 =	vadd.f32 v1, v2  }
0x90: {  	v2 =	vld.idx.msk [tilespmem:v15+s12+$0x0], $0xffff;
	v3 =	vadd.f32 v4, v3  }
0x91: {  	v63 =	vld.idx.msk [tilespmem:v14+s12+$0x0], $0xffff;
	[tilespmem:$0x8A00] =	vst v1;
	v1 =	vadd.f32 v5, v6  }
0x92: {  	[tilespmem:$0x8A10] =	vst v3;
	v3 =	vadd.f32 v7, v8  }
0x93: {  	[tilespmem:$0x8A20] =	vst v1;
	v1 =	vadd.f32 v9, v10  }
0x94: {  	[tilespmem:$0x8A30] =	vst v3;
	v3 =	vadd.f32 v13, v11  }
0x95: {  	[tilespmem:$0x8A40] =	vst v1;
	v1 =	vadd.f32 v2, v12  }
0x96: {  	[tilespmem:$0x8A50] =	vst v3;
	v2 =	vadd.f32 v63, v62  }
0x97: {  	[tilespmem:$0x8A60] =	vst v1  }
.Ltmp4:
0x98: {  	[tilespmem:$0x8A70] =	vst v2;
	(pc) =	sbr.rel .LBB2_5-.Ltmp4, $4  }
0x99: {  	[hbm4b:s7+s1] =	stream.linear.scatter [tilespmem:s17], [sflag:$0x2], $0x80, $0x38;
	[tilespmem:$0x8A80] =	vst v63  }
0x9a: {  	_ =	swait.ge [sflag:s15], $0x80  }
0x9b: {  	[sflag:s15] =	ssyncset.done $0x0  }
0x9c: {  	[sflag:s15] =	ssyncadd.s32 $0xFFFFFF80  }
.LBB2_6:
0x9d: {  	_ =	sfence.sel $0x180000  }
0x9e: {  	[bflag:$0x0] =	sbarrier.arrive $0xFFFF  }
0x9f: {  	_ =	strace $0x90000047  }
0xa0: {  	s0 =	sadd.s32 @!p0 $0x100000, s0;
	[bflag:$0x2] =	sbarrier.arrive $0xFFFF  }
0xa1: {  	[sflag:s0] =	ssyncadd.tile.s32 @!p0 $0x1;
	_ =	shalt  }
.Lfunc_end2:
_tile_overlayer_lowered:
.L_overlay_start_2:
0xa2: {  	(tag) =	ssettag $0x2  }
0xa3: {  	s0 =	rddreg [dreg:$0x0];
	s2 =	stileid.u32  }
0xa4: {  	s1 =	rddreg [dreg:$0x1];
	p0 =	sne.s32 s2, $0x0  }
0xa5: {  	s3 =	rddreg [dreg:$0x2];
	[bflag:$0x3] =	sbarrier.arrive $0xFFFF;
	s2 =	simm.s32 @!p0 $0x1C02  }
0xa6: {  	[timem:s3], [sflag:s2] =	dma.local @!p0 [hbm:s0], s1  }
0xa7: {  	s0 =	simm.s32 @!p0 $0x2  }
0xa8: {  	_ =	swait.ge @!p0 [sflag:s0], s1  }
0xa9: {  	s1 =	ssub.s32 @!p0 $0x0, s1;
	[sflag:s0] =	ssyncset.done @!p0 $0x0  }
0xaa: {  	[sflag:s0] =	ssyncadd.s32 @!p0 s1  }
0xab: {  	[bflag:$0x3] =	sbarrier.arrive $0xFFFF  }
0xac: {  	_ =	shalt  }

</sc_bundles>
